<compile_context>
chip_gen: v7x
topology: tpu7x:2x2x1
jax: 0.10.2.dev20260603
libtpu: 0.0.44.dev20260713+nightly
codegen_flags: <defaults>
</compile_context>

<pallas_src>
import functools
import math

import jax
import jax.numpy as jnp
from jax import lax
from jax.experimental import pallas as pl
from jax.experimental.pallas import tpu as pltpu
from jax.experimental.pallas import tpu_sc as plsc

D_MODEL = 128
SCALE = math.sqrt(D_MODEL)
BLOCK = 128
LANES = 16
NBUF = 2


def _scale_chunk(src, dst):
    def row_body(r, _):
        for t in range(D_MODEL // LANES):
            sl = pl.ds(t * LANES, LANES)
            dst[r, sl] = src[r, sl] * SCALE
        return 0

    lax.fori_loop(0, BLOCK, row_body, 0)


def _emb_kernel(seq_len, table_hbm, xt_hbm, out_hbm, idx_v, *scratch):
    gbufs = scratch[:NBUF]
    obufs = scratch[NBUF:2 * NBUF]
    gsems = scratch[2 * NBUF:3 * NBUF]
    osems = scratch[3 * NBUF:4 * NBUF]

    nc = 2
    wid = lax.axis_index("s") * nc + lax.axis_index("c")
    b0 = wid * BLOCK
    pltpu.sync_copy(xt_hbm.at[:, pl.ds(b0, BLOCK)], idx_v)

    n_outer = seq_len // NBUF

    def gather(s, b):
        return pltpu.make_async_copy(
            table_hbm.at[idx_v.at[s]], gbufs[b], gsems[b])

    def out_copy(s, b):
        return pltpu.make_async_copy(
            obufs[b], out_hbm.at[s, pl.ds(b0, BLOCK)], osems[b])

    for b in range(NBUF):
        gather(b, b).start()

    def outer_body(g, _):
        for b in range(NBUF):
            s = g * NBUF + b
            gather(s, b).wait()

            @pl.when(g > 0)
            def _wait_prev_out():
                out_copy(s - NBUF, b).wait()

            _scale_chunk(gbufs[b], obufs[b])
            out_copy(s, b).start()

            @pl.when(g < n_outer - 1)
            def _start_next_gather():
                gather(s + NBUF, b).start()
        return 0

    lax.fori_loop(0, n_outer, outer_body, 0)

    for b in range(NBUF):
        s = (n_outer - 1) * NBUF + b
        out_copy(s, b).wait()


def kernel(x, table):
    num_batch, seq_len = x.shape
    xt = x.T.astype(jnp.int32)
    mesh = plsc.VectorSubcoreMesh(core_axis_name="c", subcore_axis_name="s")
    k = pl.kernel(
        functools.partial(_emb_kernel, seq_len),
        mesh=mesh,
        out_type=jax.ShapeDtypeStruct((seq_len, num_batch, D_MODEL),
                                      jnp.float32),
        scratch_types=(
            [pltpu.VMEM((seq_len, BLOCK), jnp.int32)]
            + [pltpu.VMEM((BLOCK, D_MODEL), jnp.float32)] * (2 * NBUF)
            + [pltpu.SemaphoreType.DMA] * (2 * NBUF)
        ),
    )
    out = k(table, xt)
    return out.transpose(1, 0, 2)

# --- scband reference (transcript-rebuilt; emitter-appended) ---
"""Pipeline reference for scband-text-embeddings-50964081935456 (READ-ONLY COPY).

The authoritative reference and input builder live on the scoring server;
editing this copy changes nothing except your own understanding.
"""

import jax, jax.numpy as jnp
import numpy as np
import math

D_MODEL = 128
DICT_SIZE = 100000

def setup_inputs(seed: int = 0) -> dict:
    key = jax.random.key(seed)
    k1, k2 = jax.random.split(key)
    x = jax.random.randint(k1, (4096, 50), 0, DICT_SIZE, dtype=jnp.int64)
    table = jax.random.normal(k2, (DICT_SIZE, D_MODEL), dtype=jnp.float32)
    return {"x": x, "table": table}

def reference(x, table):
    # (num_batch, seq_len) -> (num_batch, seq_len, d_model), scaled by sqrt(d_model)
    return jnp.take(table, x, axis=0) * math.sqrt(D_MODEL)

if __name__ == "__main__":
    import jax
    _d = setup_inputs()
    print(jax.jit(kernel)(*tuple(_d.values())))

</pallas_src>

<mosaic_0001>
#map = affine_map<(d0, d1) -> (0, 0)>
#map1 = affine_map<(d0, d1) -> (0, 0, 0)>
module attributes {stable_mosaic.version = 14 : i64} {
  func.func @_emb_kernel(%arg0: i32, %arg1: i32, %arg2: memref<100000x128xf32, #tpu.memory_space<hbm>>, %arg3: memref<50x4096xi32, #tpu.memory_space<hbm>>, %arg4: memref<50x4096x128xf32, #tpu.memory_space<hbm>>, %arg5: memref<50x128xi32, #tpu.memory_space<vmem>>, %arg6: memref<128x128xf32, #tpu.memory_space<vmem>>, %arg7: memref<128x128xf32, #tpu.memory_space<vmem>>, %arg8: memref<128x128xf32, #tpu.memory_space<vmem>>, %arg9: memref<128x128xf32, #tpu.memory_space<vmem>>, %arg10: memref<!tpu.dma_semaphore, #tpu.memory_space<semaphore_mem>>, %arg11: memref<!tpu.dma_semaphore, #tpu.memory_space<semaphore_mem>>, %arg12: memref<!tpu.dma_semaphore, #tpu.memory_space<semaphore_mem>>, %arg13: memref<!tpu.dma_semaphore, #tpu.memory_space<semaphore_mem>>) attributes {dimension_semantics = [#tpu.dimension_semantics<core_parallel>, #tpu.dimension_semantics<subcore_parallel>], iteration_bounds = array<i64: 2, 16>, scalar_prefetch = 0 : i64, scratch_operands = 9 : i64, tpu.core_type = #tpu.core_type<sc_vector_subcore>, window_params = [{transform_indices = #map}, {transform_indices = #map}, {transform_indices = #map1}]} {
    %mul3A = arith.constant 2 : i32
    %mul3A_0 = arith.muli %arg1, %mul3A : i32
    %add3A = arith.addi %mul3A_0, %arg0 : i32
    %mul3A_1 = arith.constant 128 : i32
    %mul3A_2 = arith.muli %add3A, %mul3A_1 : i32
    "tpu.region"() ({
      %run_scoped3A = tpu.sem_alloc : memref<!tpu.dma_semaphore, #tpu.memory_space<semaphore_mem>>
      %dma_start3A_35 = arith.constant 0 : i32
      %dma_start3A_36 = tpu.memref_slice %arg3[%dma_start3A_35, %mul3A_2] : memref<50x4096xi32, #tpu.memory_space<hbm>> -> memref<50x128xi32, #tpu.memory_space<hbm>>
      %dma_start3A_37 = arith.constant 0 : i32
      %dma_start3A_38 = tpu.memref_slice %arg3[%dma_start3A_37, %mul3A_2] : memref<50x4096xi32, #tpu.memory_space<hbm>> -> memref<50x128xi32, #tpu.memory_space<hbm>>
      tpu.enqueue_dma source(%dma_start3A_38 : memref<50x128xi32, #tpu.memory_space<hbm>>) target(%arg5 : memref<50x128xi32, #tpu.memory_space<vmem>>) target_semaphore(%run_scoped3A : memref<!tpu.dma_semaphore, #tpu.memory_space<semaphore_mem>>)
      %dma_wait3A_39 = arith.constant 0 : i32
      %dma_wait3A_40 = tpu.memref_slice %arg3[%dma_wait3A_39, %mul3A_2] : memref<50x4096xi32, #tpu.memory_space<hbm>> -> memref<50x128xi32, #tpu.memory_space<hbm>>
      %dma_wait3A_41 = arith.constant 0 : i32
      %dma_wait3A_42 = tpu.memref_slice %arg3[%dma_wait3A_41, %mul3A_2] : memref<50x4096xi32, #tpu.memory_space<hbm>> -> memref<50x128xi32, #tpu.memory_space<hbm>>
      tpu.wait_dma2 semaphore(%run_scoped3A : memref<!tpu.dma_semaphore, #tpu.memory_space<semaphore_mem>>) src(%dma_wait3A_42 : memref<50x128xi32, #tpu.memory_space<hbm>>) dst(%arg5 : memref<50x128xi32, #tpu.memory_space<vmem>>)
      tpu.yield
    }) : () -> ()
    %dma_start3A = arith.constant 0 : i32
    %dma_start3A_3 = arith.constant 0 : i32
    %dma_start3A_4 = tpu.memref_slice %arg5[%dma_start3A, %dma_start3A_3] : memref<50x128xi32, #tpu.memory_space<vmem>> -> memref<1x128xi32, #tpu.memory_space<vmem>>
    %dma_start3A_5 = tpu.memref_squeeze %dma_start3A_4 : memref<1x128xi32, #tpu.memory_space<vmem>> -> memref<128xi32, #tpu.memory_space<vmem>>
    %dma_start3A_6 = arith.constant 0 : i32
    %dma_start3A_7 = arith.constant 0 : i32
    %dma_start3A_8 = tpu.memref_slice %arg2[%dma_start3A_6, %dma_start3A_7] : memref<100000x128xf32, #tpu.memory_space<hbm>> -> memref<100000x128xf32, #tpu.memory_space<hbm>>
    tpu.enqueue_indirect_dma source(%dma_start3A_8 : memref<100000x128xf32, #tpu.memory_space<hbm>>) target(%arg6 : memref<128x128xf32, #tpu.memory_space<vmem>>) offsets(%dma_start3A_5 : memref<128xi32, #tpu.memory_space<vmem>>) semaphore(%arg10 : memref<!tpu.dma_semaphore, #tpu.memory_space<semaphore_mem>>)
    %dma_start3A_9 = arith.constant 1 : i32
    %dma_start3A_10 = arith.constant 0 : i32
    %dma_start3A_11 = tpu.memref_slice %arg5[%dma_start3A_9, %dma_start3A_10] : memref<50x128xi32, #tpu.memory_space<vmem>> -> memref<1x128xi32, #tpu.memory_space<vmem>>
    %dma_start3A_12 = tpu.memref_squeeze %dma_start3A_11 : memref<1x128xi32, #tpu.memory_space<vmem>> -> memref<128xi32, #tpu.memory_space<vmem>>
    %dma_start3A_13 = arith.constant 0 : i32
    %dma_start3A_14 = arith.constant 0 : i32
    %dma_start3A_15 = tpu.memref_slice %arg2[%dma_start3A_13, %dma_start3A_14] : memref<100000x128xf32, #tpu.memory_space<hbm>> -> memref<100000x128xf32, #tpu.memory_space<hbm>>
    tpu.enqueue_indirect_dma source(%dma_start3A_15 : memref<100000x128xf32, #tpu.memory_space<hbm>>) target(%arg7 : memref<128x128xf32, #tpu.memory_space<vmem>>) offsets(%dma_start3A_12 : memref<128xi32, #tpu.memory_space<vmem>>) semaphore(%arg11 : memref<!tpu.dma_semaphore, #tpu.memory_space<semaphore_mem>>)
    %scan3A = arith.constant 0 : i32
    %scan3A_16 = arith.constant 0 : i32
    %scan3A_17 = arith.constant 25 : i32
    %scan3A_18 = arith.addi %scan3A_16, %scan3A_17 : i32
    %scan3A_19 = arith.constant 1 : i32
    %scan3A_20 = scf.for %scan3A_35 = %scan3A_16 to %scan3A_18 step %scan3A_19 iter_args(%scan3A_36 = %scan3A) -> (i32)  : i32 {
      %mul3A_37 = arith.constant 2 : i32
      %mul3A_38 = arith.muli %scan3A_35, %mul3A_37 : i32
      %add3A_39 = arith.constant 0 : i32
      %add3A_40 = arith.addi %mul3A_38, %add3A_39 : i32
      %dma_wait3A_41 = arith.constant 0 : i32
      %dma_wait3A_42 = tpu.memref_slice %arg5[%add3A_40, %dma_wait3A_41] : memref<50x128xi32, #tpu.memory_space<vmem>> -> memref<1x128xi32, #tpu.memory_space<vmem>>
      %dma_wait3A_43 = tpu.memref_squeeze %dma_wait3A_42 : memref<1x128xi32, #tpu.memory_space<vmem>> -> memref<128xi32, #tpu.memory_space<vmem>>
      %dma_wait3A_44 = arith.constant 0 : i32
      %dma_wait3A_45 = arith.constant 0 : i32
      %dma_wait3A_46 = tpu.memref_slice %arg2[%dma_wait3A_44, %dma_wait3A_45] : memref<100000x128xf32, #tpu.memory_space<hbm>> -> memref<100000x128xf32, #tpu.memory_space<hbm>>
      tpu.wait_indirect_dma semaphore(%arg10 : memref<!tpu.dma_semaphore, #tpu.memory_space<semaphore_mem>>) src(%dma_wait3A_46 : memref<100000x128xf32, #tpu.memory_space<hbm>>) dst(%arg6 : memref<128x128xf32, #tpu.memory_space<vmem>>)
      %gt3A = arith.constant 0 : i32
      %gt3A_47 = arith.cmpi sgt, %scan3A_35, %gt3A : i32
      %convert_element_type3A = arith.extui %gt3A_47 : i1 to i32
      %cond3A = arith.constant 0 : i32
      %cond3A_48 = arith.cmpi ne, %convert_element_type3A, %cond3A : i32
      scf.if %cond3A_48 {
        %sub3A = arith.constant 2 : i32
        %sub3A_100 = arith.subi %add3A_40, %sub3A : i32
        %dma_wait3A_101 = arith.constant 0 : i32
        %dma_wait3A_102 = tpu.memref_slice %arg4[%sub3A_100, %mul3A_2, %dma_wait3A_101] : memref<50x4096x128xf32, #tpu.memory_space<hbm>> -> memref<1x128x128xf32, #tpu.memory_space<hbm>>
        %dma_wait3A_103 = tpu.memref_squeeze %dma_wait3A_102 : memref<1x128x128xf32, #tpu.memory_space<hbm>> -> memref<128x128xf32, #tpu.memory_space<hbm>>
        %dma_wait3A_104 = arith.constant 0 : i32
        %dma_wait3A_105 = tpu.memref_slice %arg4[%sub3A_100, %mul3A_2, %dma_wait3A_104] : memref<50x4096x128xf32, #tpu.memory_space<hbm>> -> memref<1x128x128xf32, #tpu.memory_space<hbm>>
        %dma_wait3A_106 = tpu.memref_squeeze %dma_wait3A_105 : memref<1x128x128xf32, #tpu.memory_space<hbm>> -> memref<128x128xf32, #tpu.memory_space<hbm>>
        tpu.wait_dma2 semaphore(%arg12 : memref<!tpu.dma_semaphore, #tpu.memory_space<semaphore_mem>>) src(%arg8 : memref<128x128xf32, #tpu.memory_space<vmem>>) dst(%dma_wait3A_106 : memref<128x128xf32, #tpu.memory_space<hbm>>)
      } else {
      }
      %scan3A_49 = arith.constant 0 : i32
      %scan3A_50 = arith.constant 0 : i32
      %scan3A_51 = arith.constant 128 : i32
      %scan3A_52 = arith.addi %scan3A_50, %scan3A_51 : i32
      %scan3A_53 = arith.constant 1 : i32
      %scan3A_54 = scf.for %scan3A_100 = %scan3A_50 to %scan3A_52 step %scan3A_53 iter_args(%scan3A_101 = %scan3A_49) -> (i32)  : i32 {
        %get3A = arith.index_cast %scan3A_100 : i32 to index
        %get3A_102 = arith.constant 0 : index
        %get3A_103 = tpu.vector_load %arg6[%get3A, %get3A_102] {strides = array<i32>} : memref<128x128xf32, #tpu.memory_space<vmem>>, vector<1x16xf32>,
        %get3A_104 = vector.shape_cast %get3A_103 : vector<1x16xf32> to vector<16xf32>
        %mul3A_105 = arith.constant 11.3137083 : f32
        %mul3A_106 = vector.broadcast %mul3A_105 : f32 to vector<16xf32>
        %mul3A_107 = arith.mulf %get3A_104, %mul3A_106 : vector<16xf32>
        %swap3A = arith.index_cast %scan3A_100 : i32 to index
        %swap3A_108 = arith.constant 0 : index
        %swap3A_109 = tpu.vector_load %arg8[%swap3A, %swap3A_108] {strides = array<i32>} : memref<128x128xf32, #tpu.memory_space<vmem>>, vector<1x16xf32>,
        %swap3A_110 = vector.shape_cast %swap3A_109 : vector<1x16xf32> to vector<16xf32>
        %swap3A_111 = vector.shape_cast %mul3A_107 : vector<16xf32> to vector<1x16xf32>
        tpu.vector_store %arg8[%swap3A, %swap3A_108], %swap3A_111 {strides = array<i32>} : memref<128x128xf32, #tpu.memory_space<vmem>>, vector<1x16xf32>,
        %get3A_112 = arith.index_cast %scan3A_100 : i32 to index
        %get3A_113 = arith.constant 16 : index
        %get3A_114 = tpu.vector_load %arg6[%get3A_112, %get3A_113] {strides = array<i32>} : memref<128x128xf32, #tpu.memory_space<vmem>>, vector<1x16xf32>,
        %get3A_115 = vector.shape_cast %get3A_114 : vector<1x16xf32> to vector<16xf32>
        %mul3A_116 = arith.constant 11.3137083 : f32
        %mul3A_117 = vector.broadcast %mul3A_116 : f32 to vector<16xf32>
        %mul3A_118 = arith.mulf %get3A_115, %mul3A_117 : vector<16xf32>
        %swap3A_119 = arith.index_cast %scan3A_100 : i32 to index
        %swap3A_120 = arith.constant 16 : index
        %swap3A_121 = tpu.vector_load %arg8[%swap3A_119, %swap3A_120] {strides = array<i32>} : memref<128x128xf32, #tpu.memory_space<vmem>>, vector<1x16xf32>,
        %swap3A_122 = vector.shape_cast %swap3A_121 : vector<1x16xf32> to vector<16xf32>
        %swap3A_123 = vector.shape_cast %mul3A_118 : vector<16xf32> to vector<1x16xf32>
        tpu.vector_store %arg8[%swap3A_119, %swap3A_120], %swap3A_123 {strides = array<i32>} : memref<128x128xf32, #tpu.memory_space<vmem>>, vector<1x16xf32>,
        %get3A_124 = arith.index_cast %scan3A_100 : i32 to index
        %get3A_125 = arith.constant 32 : index
        %get3A_126 = tpu.vector_load %arg6[%get3A_124, %get3A_125] {strides = array<i32>} : memref<128x128xf32, #tpu.memory_space<vmem>>, vector<1x16xf32>,
        %get3A_127 = vector.shape_cast %get3A_126 : vector<1x16xf32> to vector<16xf32>
        %mul3A_128 = arith.constant 11.3137083 : f32
        %mul3A_129 = vector.broadcast %mul3A_128 : f32 to vector<16xf32>
        %mul3A_130 = arith.mulf %get3A_127, %mul3A_129 : vector<16xf32>
        %swap3A_131 = arith.index_cast %scan3A_100 : i32 to index
        %swap3A_132 = arith.constant 32 : index
        %swap3A_133 = tpu.vector_load %arg8[%swap3A_131, %swap3A_132] {strides = array<i32>} : memref<128x128xf32, #tpu.memory_space<vmem>>, vector<1x16xf32>,
        %swap3A_134 = vector.shape_cast %swap3A_133 : vector<1x16xf32> to vector<16xf32>
        %swap3A_135 = vector.shape_cast %mul3A_130 : vector<16xf32> to vector<1x16xf32>
        tpu.vector_store %arg8[%swap3A_131, %swap3A_132], %swap3A_135 {strides = array<i32>} : memref<128x128xf32, #tpu.memory_space<vmem>>, vector<1x16xf32>,
        %get3A_136 = arith.index_cast %scan3A_100 : i32 to index
        %get3A_137 = arith.constant 48 : index
        %get3A_138 = tpu.vector_load %arg6[%get3A_136, %get3A_137] {strides = array<i32>} : memref<128x128xf32, #tpu.memory_space<vmem>>, vector<1x16xf32>,
        %get3A_139 = vector.shape_cast %get3A_138 : vector<1x16xf32> to vector<16xf32>
        %mul3A_140 = arith.constant 11.3137083 : f32
        %mul3A_141 = vector.broadcast %mul3A_140 : f32 to vector<16xf32>
        %mul3A_142 = arith.mulf %get3A_139, %mul3A_141 : vector<16xf32>
        %swap3A_143 = arith.index_cast %scan3A_100 : i32 to index
        %swap3A_144 = arith.constant 48 : index
        %swap3A_145 = tpu.vector_load %arg8[%swap3A_143, %swap3A_144] {strides = array<i32>} : memref<128x128xf32, #tpu.memory_space<vmem>>, vector<1x16xf32>,
        %swap3A_146 = vector.shape_cast %swap3A_145 : vector<1x16xf32> to vector<16xf32>
        %swap3A_147 = vector.shape_cast %mul3A_142 : vector<16xf32> to vector<1x16xf32>
        tpu.vector_store %arg8[%swap3A_143, %swap3A_144], %swap3A_147 {strides = array<i32>} : memref<128x128xf32, #tpu.memory_space<vmem>>, vector<1x16xf32>,
        %get3A_148 = arith.index_cast %scan3A_100 : i32 to index
        %get3A_149 = arith.constant 64 : index
        %get3A_150 = tpu.vector_load %arg6[%get3A_148, %get3A_149] {strides = array<i32>} : memref<128x128xf32, #tpu.memory_space<vmem>>, vector<1x16xf32>,
        %get3A_151 = vector.shape_cast %get3A_150 : vector<1x16xf32> to vector<16xf32>
        %mul3A_152 = arith.constant 11.3137083 : f32
        %mul3A_153 = vector.broadcast %mul3A_152 : f32 to vector<16xf32>
        %mul3A_154 = arith.mulf %get3A_151, %mul3A_153 : vector<16xf32>
        %swap3A_155 = arith.index_cast %scan3A_100 : i32 to index
        %swap3A_156 = arith.constant 64 : index
        %swap3A_157 = tpu.vector_load %arg8[%swap3A_155, %swap3A_156] {strides = array<i32>} : memref<128x128xf32, #tpu.memory_space<vmem>>, vector<1x16xf32>,
        %swap3A_158 = vector.shape_cast %swap3A_157 : vector<1x16xf32> to vector<16xf32>
        %swap3A_159 = vector.shape_cast %mul3A_154 : vector<16xf32> to vector<1x16xf32>
        tpu.vector_store %arg8[%swap3A_155, %swap3A_156], %swap3A_159 {strides = array<i32>} : memref<128x128xf32, #tpu.memory_space<vmem>>, vector<1x16xf32>,
        %get3A_160 = arith.index_cast %scan3A_100 : i32 to index
        %get3A_161 = arith.constant 80 : index
        %get3A_162 = tpu.vector_load %arg6[%get3A_160, %get3A_161] {strides = array<i32>} : memref<128x128xf32, #tpu.memory_space<vmem>>, vector<1x16xf32>,
        %get3A_163 = vector.shape_cast %get3A_162 : vector<1x16xf32> to vector<16xf32>
        %mul3A_164 = arith.constant 11.3137083 : f32
        %mul3A_165 = vector.broadcast %mul3A_164 : f32 to vector<16xf32>
        %mul3A_166 = arith.mulf %get3A_163, %mul3A_165 : vector<16xf32>
        %swap3A_167 = arith.index_cast %scan3A_100 : i32 to index
        %swap3A_168 = arith.constant 80 : index
        %swap3A_169 = tpu.vector_load %arg8[%swap3A_167, %swap3A_168] {strides = array<i32>} : memref<128x128xf32, #tpu.memory_space<vmem>>, vector<1x16xf32>,
        %swap3A_170 = vector.shape_cast %swap3A_169 : vector<1x16xf32> to vector<16xf32>
        %swap3A_171 = vector.shape_cast %mul3A_166 : vector<16xf32> to vector<1x16xf32>
        tpu.vector_store %arg8[%swap3A_167, %swap3A_168], %swap3A_171 {strides = array<i32>} : memref<128x128xf32, #tpu.memory_space<vmem>>, vector<1x16xf32>,
        %get3A_172 = arith.index_cast %scan3A_100 : i32 to index
        %get3A_173 = arith.constant 96 : index
        %get3A_174 = tpu.vector_load %arg6[%get3A_172, %get3A_173] {strides = array<i32>} : memref<128x128xf32, #tpu.memory_space<vmem>>, vector<1x16xf32>,
        %get3A_175 = vector.shape_cast %get3A_174 : vector<1x16xf32> to vector<16xf32>
        %mul3A_176 = arith.constant 11.3137083 : f32
        %mul3A_177 = vector.broadcast %mul3A_176 : f32 to vector<16xf32>
        %mul3A_178 = arith.mulf %get3A_175, %mul3A_177 : vector<16xf32>
        %swap3A_179 = arith.index_cast %scan3A_100 : i32 to index
        %swap3A_180 = arith.constant 96 : index
        %swap3A_181 = tpu.vector_load %arg8[%swap3A_179, %swap3A_180] {strides = array<i32>} : memref<128x128xf32, #tpu.memory_space<vmem>>, vector<1x16xf32>,
        %swap3A_182 = vector.shape_cast %swap3A_181 : vector<1x16xf32> to vector<16xf32>
        %swap3A_183 = vector.shape_cast %mul3A_178 : vector<16xf32> to vector<1x16xf32>
        tpu.vector_store %arg8[%swap3A_179, %swap3A_180], %swap3A_183 {strides = array<i32>} : memref<128x128xf32, #tpu.memory_space<vmem>>, vector<1x16xf32>,
        %get3A_184 = arith.index_cast %scan3A_100 : i32 to index
        %get3A_185 = arith.constant 112 : index
        %get3A_186 = tpu.vector_load %arg6[%get3A_184, %get3A_185] {strides = array<i32>} : memref<128x128xf32, #tpu.memory_space<vmem>>, vector<1x16xf32>,
        %get3A_187 = vector.shape_cast %get3A_186 : vector<1x16xf32> to vector<16xf32>
        %mul3A_188 = arith.constant 11.3137083 : f32
        %mul3A_189 = vector.broadcast %mul3A_188 : f32 to vector<16xf32>
        %mul3A_190 = arith.mulf %get3A_187, %mul3A_189 : vector<16xf32>
        %swap3A_191 = arith.index_cast %scan3A_100 : i32 to index
        %swap3A_192 = arith.constant 112 : index
        %swap3A_193 = tpu.vector_load %arg8[%swap3A_191, %swap3A_192] {strides = array<i32>} : memref<128x128xf32, #tpu.memory_space<vmem>>, vector<1x16xf32>,
        %swap3A_194 = vector.shape_cast %swap3A_193 : vector<1x16xf32> to vector<16xf32>
        %swap3A_195 = vector.shape_cast %mul3A_190 : vector<16xf32> to vector<1x16xf32>
        tpu.vector_store %arg8[%swap3A_191, %swap3A_192], %swap3A_195 {strides = array<i32>} : memref<128x128xf32, #tpu.memory_space<vmem>>, vector<1x16xf32>,
        %scan3A_196 = arith.constant 0 : i32
        scf.yield %scan3A_196 : i32
      }
      %scan3A_55 = arith.constant 128 : i32
      %dma_start3A_56 = arith.constant 0 : i32
      %dma_start3A_57 = tpu.memref_slice %arg4[%add3A_40, %mul3A_2, %dma_start3A_56] : memref<50x4096x128xf32, #tpu.memory_space<hbm>> -> memref<1x128x128xf32, #tpu.memory_space<hbm>>
      %dma_start3A_58 = tpu.memref_squeeze %dma_start3A_57 : memref<1x128x128xf32, #tpu.memory_space<hbm>> -> memref<128x128xf32, #tpu.memory_space<hbm>>
      %dma_start3A_59 = arith.constant 0 : i32
      %dma_start3A_60 = tpu.memref_slice %arg4[%add3A_40, %mul3A_2, %dma_start3A_59] : memref<50x4096x128xf32, #tpu.memory_space<hbm>> -> memref<1x128x128xf32, #tpu.memory_space<hbm>>
      %dma_start3A_61 = tpu.memref_squeeze %dma_start3A_60 : memref<1x128x128xf32, #tpu.memory_space<hbm>> -> memref<128x128xf32, #tpu.memory_space<hbm>>
      tpu.enqueue_dma source(%arg8 : memref<128x128xf32, #tpu.memory_space<vmem>>) target(%dma_start3A_61 : memref<128x128xf32, #tpu.memory_space<hbm>>) target_semaphore(%arg12 : memref<!tpu.dma_semaphore, #tpu.memory_space<semaphore_mem>>)
      %lt3A = arith.constant 24 : i32
      %lt3A_62 = arith.cmpi slt, %scan3A_35, %lt3A : i32
      %convert_element_type3A_63 = arith.extui %lt3A_62 : i1 to i32
      %cond3A_64 = arith.constant 0 : i32
      %cond3A_65 = arith.cmpi ne, %convert_element_type3A_63, %cond3A_64 : i32
      scf.if %cond3A_65 {
        %add3A_100 = arith.constant 2 : i32
        %add3A_101 = arith.addi %add3A_40, %add3A_100 : i32
        %dma_start3A_102 = arith.constant 0 : i32
        %dma_start3A_103 = tpu.memref_slice %arg5[%add3A_101, %dma_start3A_102] : memref<50x128xi32, #tpu.memory_space<vmem>> -> memref<1x128xi32, #tpu.memory_space<vmem>>
        %dma_start3A_104 = tpu.memref_squeeze %dma_start3A_103 : memref<1x128xi32, #tpu.memory_space<vmem>> -> memref<128xi32, #tpu.memory_space<vmem>>
        %dma_start3A_105 = arith.constant 0 : i32
        %dma_start3A_106 = arith.constant 0 : i32
        %dma_start3A_107 = tpu.memref_slice %arg2[%dma_start3A_105, %dma_start3A_106] : memref<100000x128xf32, #tpu.memory_space<hbm>> -> memref<100000x128xf32, #tpu.memory_space<hbm>>
        tpu.enqueue_indirect_dma source(%dma_start3A_107 : memref<100000x128xf32, #tpu.memory_space<hbm>>) target(%arg6 : memref<128x128xf32, #tpu.memory_space<vmem>>) offsets(%dma_start3A_104 : memref<128xi32, #tpu.memory_space<vmem>>) semaphore(%arg10 : memref<!tpu.dma_semaphore, #tpu.memory_space<semaphore_mem>>)
      } else {
      }
      %mul3A_66 = arith.constant 2 : i32
      %mul3A_67 = arith.muli %scan3A_35, %mul3A_66 : i32
      %add3A_68 = arith.constant 1 : i32
      %add3A_69 = arith.addi %mul3A_67, %add3A_68 : i32
      %dma_wait3A_70 = arith.constant 0 : i32
      %dma_wait3A_71 = tpu.memref_slice %arg5[%add3A_69, %dma_wait3A_70] : memref<50x128xi32, #tpu.memory_space<vmem>> -> memref<1x128xi32, #tpu.memory_space<vmem>>
      %dma_wait3A_72 = tpu.memref_squeeze %dma_wait3A_71 : memref<1x128xi32, #tpu.memory_space<vmem>> -> memref<128xi32, #tpu.memory_space<vmem>>
      %dma_wait3A_73 = arith.constant 0 : i32
      %dma_wait3A_74 = arith.constant 0 : i32
      %dma_wait3A_75 = tpu.memref_slice %arg2[%dma_wait3A_73, %dma_wait3A_74] : memref<100000x128xf32, #tpu.memory_space<hbm>> -> memref<100000x128xf32, #tpu.memory_space<hbm>>
      tpu.wait_indirect_dma semaphore(%arg11 : memref<!tpu.dma_semaphore, #tpu.memory_space<semaphore_mem>>) src(%dma_wait3A_75 : memref<100000x128xf32, #tpu.memory_space<hbm>>) dst(%arg7 : memref<128x128xf32, #tpu.memory_space<vmem>>)
      %gt3A_76 = arith.constant 0 : i32
      %gt3A_77 = arith.cmpi sgt, %scan3A_35, %gt3A_76 : i32
      %convert_element_type3A_78 = arith.extui %gt3A_77 : i1 to i32
      %cond3A_79 = arith.constant 0 : i32
      %cond3A_80 = arith.cmpi ne, %convert_element_type3A_78, %cond3A_79 : i32
      scf.if %cond3A_80 {
        %sub3A = arith.constant 2 : i32
        %sub3A_100 = arith.subi %add3A_69, %sub3A : i32
        %dma_wait3A_101 = arith.constant 0 : i32
        %dma_wait3A_102 = tpu.memref_slice %arg4[%sub3A_100, %mul3A_2, %dma_wait3A_101] : memref<50x4096x128xf32, #tpu.memory_space<hbm>> -> memref<1x128x128xf32, #tpu.memory_space<hbm>>
        %dma_wait3A_103 = tpu.memref_squeeze %dma_wait3A_102 : memref<1x128x128xf32, #tpu.memory_space<hbm>> -> memref<128x128xf32, #tpu.memory_space<hbm>>
        %dma_wait3A_104 = arith.constant 0 : i32
        %dma_wait3A_105 = tpu.memref_slice %arg4[%sub3A_100, %mul3A_2, %dma_wait3A_104] : memref<50x4096x128xf32, #tpu.memory_space<hbm>> -> memref<1x128x128xf32, #tpu.memory_space<hbm>>
        %dma_wait3A_106 = tpu.memref_squeeze %dma_wait3A_105 : memref<1x128x128xf32, #tpu.memory_space<hbm>> -> memref<128x128xf32, #tpu.memory_space<hbm>>
        tpu.wait_dma2 semaphore(%arg13 : memref<!tpu.dma_semaphore, #tpu.memory_space<semaphore_mem>>) src(%arg9 : memref<128x128xf32, #tpu.memory_space<vmem>>) dst(%dma_wait3A_106 : memref<128x128xf32, #tpu.memory_space<hbm>>)
      } else {
      }
      %scan3A_81 = arith.constant 0 : i32
      %scan3A_82 = arith.constant 0 : i32
      %scan3A_83 = arith.constant 128 : i32
      %scan3A_84 = arith.addi %scan3A_82, %scan3A_83 : i32
      %scan3A_85 = arith.constant 1 : i32
      %scan3A_86 = scf.for %scan3A_100 = %scan3A_82 to %scan3A_84 step %scan3A_85 iter_args(%scan3A_101 = %scan3A_81) -> (i32)  : i32 {
        %get3A = arith.index_cast %scan3A_100 : i32 to index
        %get3A_102 = arith.constant 0 : index
        %get3A_103 = tpu.vector_load %arg7[%get3A, %get3A_102] {strides = array<i32>} : memref<128x128xf32, #tpu.memory_space<vmem>>, vector<1x16xf32>,
        %get3A_104 = vector.shape_cast %get3A_103 : vector<1x16xf32> to vector<16xf32>
        %mul3A_105 = arith.constant 11.3137083 : f32
        %mul3A_106 = vector.broadcast %mul3A_105 : f32 to vector<16xf32>
        %mul3A_107 = arith.mulf %get3A_104, %mul3A_106 : vector<16xf32>
        %swap3A = arith.index_cast %scan3A_100 : i32 to index
        %swap3A_108 = arith.constant 0 : index
        %swap3A_109 = tpu.vector_load %arg9[%swap3A, %swap3A_108] {strides = array<i32>} : memref<128x128xf32, #tpu.memory_space<vmem>>, vector<1x16xf32>,
        %swap3A_110 = vector.shape_cast %swap3A_109 : vector<1x16xf32> to vector<16xf32>
        %swap3A_111 = vector.shape_cast %mul3A_107 : vector<16xf32> to vector<1x16xf32>
        tpu.vector_store %arg9[%swap3A, %swap3A_108], %swap3A_111 {strides = array<i32>} : memref<128x128xf32, #tpu.memory_space<vmem>>, vector<1x16xf32>,
        %get3A_112 = arith.index_cast %scan3A_100 : i32 to index
        %get3A_113 = arith.constant 16 : index
        %get3A_114 = tpu.vector_load %arg7[%get3A_112, %get3A_113] {strides = array<i32>} : memref<128x128xf32, #tpu.memory_space<vmem>>, vector<1x16xf32>,
        %get3A_115 = vector.shape_cast %get3A_114 : vector<1x16xf32> to vector<16xf32>
        %mul3A_116 = arith.constant 11.3137083 : f32
        %mul3A_117 = vector.broadcast %mul3A_116 : f32 to vector<16xf32>
        %mul3A_118 = arith.mulf %get3A_115, %mul3A_117 : vector<16xf32>
        %swap3A_119 = arith.index_cast %scan3A_100 : i32 to index
        %swap3A_120 = arith.constant 16 : index
        %swap3A_121 = tpu.vector_load %arg9[%swap3A_119, %swap3A_120] {strides = array<i32>} : memref<128x128xf32, #tpu.memory_space<vmem>>, vector<1x16xf32>,
        %swap3A_122 = vector.shape_cast %swap3A_121 : vector<1x16xf32> to vector<16xf32>
        %swap3A_123 = vector.shape_cast %mul3A_118 : vector<16xf32> to vector<1x16xf32>
        tpu.vector_store %arg9[%swap3A_119, %swap3A_120], %swap3A_123 {strides = array<i32>} : memref<128x128xf32, #tpu.memory_space<vmem>>, vector<1x16xf32>,
        %get3A_124 = arith.index_cast %scan3A_100 : i32 to index
        %get3A_125 = arith.constant 32 : index
        %get3A_126 = tpu.vector_load %arg7[%get3A_124, %get3A_125] {strides = array<i32>} : memref<128x128xf32, #tpu.memory_space<vmem>>, vector<1x16xf32>,
        %get3A_127 = vector.shape_cast %get3A_126 : vector<1x16xf32> to vector<16xf32>
        %mul3A_128 = arith.constant 11.3137083 : f32
        %mul3A_129 = vector.broadcast %mul3A_128 : f32 to vector<16xf32>
        %mul3A_130 = arith.mulf %get3A_127, %mul3A_129 : vector<16xf32>
        %swap3A_131 = arith.index_cast %scan3A_100 : i32 to index
        %swap3A_132 = arith.constant 32 : index
        %swap3A_133 = tpu.vector_load %arg9[%swap3A_131, %swap3A_132] {strides = array<i32>} : memref<128x128xf32, #tpu.memory_space<vmem>>, vector<1x16xf32>,
        %swap3A_134 = vector.shape_cast %swap3A_133 : vector<1x16xf32> to vector<16xf32>
        %swap3A_135 = vector.shape_cast %mul3A_130 : vector<16xf32> to vector<1x16xf32>
        tpu.vector_store %arg9[%swap3A_131, %swap3A_132], %swap3A_135 {strides = array<i32>} : memref<128x128xf32, #tpu.memory_space<vmem>>, vector<1x16xf32>,
        %get3A_136 = arith.index_cast %scan3A_100 : i32 to index
        %get3A_137 = arith.constant 48 : index
        %get3A_138 = tpu.vector_load %arg7[%get3A_136, %get3A_137] {strides = array<i32>} : memref<128x128xf32, #tpu.memory_space<vmem>>, vector<1x16xf32>,
        %get3A_139 = vector.shape_cast %get3A_138 : vector<1x16xf32> to vector<16xf32>
        %mul3A_140 = arith.constant 11.3137083 : f32
        %mul3A_141 = vector.broadcast %mul3A_140 : f32 to vector<16xf32>
        %mul3A_142 = arith.mulf %get3A_139, %mul3A_141 : vector<16xf32>
        %swap3A_143 = arith.index_cast %scan3A_100 : i32 to index
        %swap3A_144 = arith.constant 48 : index
        %swap3A_145 = tpu.vector_load %arg9[%swap3A_143, %swap3A_144] {strides = array<i32>} : memref<128x128xf32, #tpu.memory_space<vmem>>, vector<1x16xf32>,
        %swap3A_146 = vector.shape_cast %swap3A_145 : vector<1x16xf32> to vector<16xf32>
        %swap3A_147 = vector.shape_cast %mul3A_142 : vector<16xf32> to vector<1x16xf32>
        tpu.vector_store %arg9[%swap3A_143, %swap3A_144], %swap3A_147 {strides = array<i32>} : memref<128x128xf32, #tpu.memory_space<vmem>>, vector<1x16xf32>,
        %get3A_148 = arith.index_cast %scan3A_100 : i32 to index
        %get3A_149 = arith.constant 64 : index
        %get3A_150 = tpu.vector_load %arg7[%get3A_148, %get3A_149] {strides = array<i32>} : memref<128x128xf32, #tpu.memory_space<vmem>>, vector<1x16xf32>,
        %get3A_151 = vector.shape_cast %get3A_150 : vector<1x16xf32> to vector<16xf32>
        %mul3A_152 = arith.constant 11.3137083 : f32
        %mul3A_153 = vector.broadcast %mul3A_152 : f32 to vector<16xf32>
        %mul3A_154 = arith.mulf %get3A_151, %mul3A_153 : vector<16xf32>
        %swap3A_155 = arith.index_cast %scan3A_100 : i32 to index
        %swap3A_156 = arith.constant 64 : index
        %swap3A_157 = tpu.vector_load %arg9[%swap3A_155, %swap3A_156] {strides = array<i32>} : memref<128x128xf32, #tpu.memory_space<vmem>>, vector<1x16xf32>,
        %swap3A_158 = vector.shape_cast %swap3A_157 : vector<1x16xf32> to vector<16xf32>
        %swap3A_159 = vector.shape_cast %mul3A_154 : vector<16xf32> to vector<1x16xf32>
        tpu.vector_store %arg9[%swap3A_155, %swap3A_156], %swap3A_159 {strides = array<i32>} : memref<128x128xf32, #tpu.memory_space<vmem>>, vector<1x16xf32>,
        %get3A_160 = arith.index_cast %scan3A_100 : i32 to index
        %get3A_161 = arith.constant 80 : index
        %get3A_162 = tpu.vector_load %arg7[%get3A_160, %get3A_161] {strides = array<i32>} : memref<128x128xf32, #tpu.memory_space<vmem>>, vector<1x16xf32>,
        %get3A_163 = vector.shape_cast %get3A_162 : vector<1x16xf32> to vector<16xf32>
        %mul3A_164 = arith.constant 11.3137083 : f32
        %mul3A_165 = vector.broadcast %mul3A_164 : f32 to vector<16xf32>
        %mul3A_166 = arith.mulf %get3A_163, %mul3A_165 : vector<16xf32>
        %swap3A_167 = arith.index_cast %scan3A_100 : i32 to index
        %swap3A_168 = arith.constant 80 : index
        %swap3A_169 = tpu.vector_load %arg9[%swap3A_167, %swap3A_168] {strides = array<i32>} : memref<128x128xf32, #tpu.memory_space<vmem>>, vector<1x16xf32>,
        %swap3A_170 = vector.shape_cast %swap3A_169 : vector<1x16xf32> to vector<16xf32>
        %swap3A_171 = vector.shape_cast %mul3A_166 : vector<16xf32> to vector<1x16xf32>
        tpu.vector_store %arg9[%swap3A_167, %swap3A_168], %swap3A_171 {strides = array<i32>} : memref<128x128xf32, #tpu.memory_space<vmem>>, vector<1x16xf32>,
        %get3A_172 = arith.index_cast %scan3A_100 : i32 to index
        %get3A_173 = arith.constant 96 : index
        %get3A_174 = tpu.vector_load %arg7[%get3A_172, %get3A_173] {strides = array<i32>} : memref<128x128xf32, #tpu.memory_space<vmem>>, vector<1x16xf32>,
        %get3A_175 = vector.shape_cast %get3A_174 : vector<1x16xf32> to vector<16xf32>
        %mul3A_176 = arith.constant 11.3137083 : f32
        %mul3A_177 = vector.broadcast %mul3A_176 : f32 to vector<16xf32>
        %mul3A_178 = arith.mulf %get3A_175, %mul3A_177 : vector<16xf32>
        %swap3A_179 = arith.index_cast %scan3A_100 : i32 to index
        %swap3A_180 = arith.constant 96 : index
        %swap3A_181 = tpu.vector_load %arg9[%swap3A_179, %swap3A_180] {strides = array<i32>} : memref<128x128xf32, #tpu.memory_space<vmem>>, vector<1x16xf32>,
        %swap3A_182 = vector.shape_cast %swap3A_181 : vector<1x16xf32> to vector<16xf32>
        %swap3A_183 = vector.shape_cast %mul3A_178 : vector<16xf32> to vector<1x16xf32>
        tpu.vector_store %arg9[%swap3A_179, %swap3A_180], %swap3A_183 {strides = array<i32>} : memref<128x128xf32, #tpu.memory_space<vmem>>, vector<1x16xf32>,
        %get3A_184 = arith.index_cast %scan3A_100 : i32 to index
        %get3A_185 = arith.constant 112 : index
        %get3A_186 = tpu.vector_load %arg7[%get3A_184, %get3A_185] {strides = array<i32>} : memref<128x128xf32, #tpu.memory_space<vmem>>, vector<1x16xf32>,
        %get3A_187 = vector.shape_cast %get3A_186 : vector<1x16xf32> to vector<16xf32>
        %mul3A_188 = arith.constant 11.3137083 : f32
        %mul3A_189 = vector.broadcast %mul3A_188 : f32 to vector<16xf32>
        %mul3A_190 = arith.mulf %get3A_187, %mul3A_189 : vector<16xf32>
        %swap3A_191 = arith.index_cast %scan3A_100 : i32 to index
        %swap3A_192 = arith.constant 112 : index
        %swap3A_193 = tpu.vector_load %arg9[%swap3A_191, %swap3A_192] {strides = array<i32>} : memref<128x128xf32, #tpu.memory_space<vmem>>, vector<1x16xf32>,
        %swap3A_194 = vector.shape_cast %swap3A_193 : vector<1x16xf32> to vector<16xf32>
        %swap3A_195 = vector.shape_cast %mul3A_190 : vector<16xf32> to vector<1x16xf32>
        tpu.vector_store %arg9[%swap3A_191, %swap3A_192], %swap3A_195 {strides = array<i32>} : memref<128x128xf32, #tpu.memory_space<vmem>>, vector<1x16xf32>,
        %scan3A_196 = arith.constant 0 : i32
        scf.yield %scan3A_196 : i32
      }
      %scan3A_87 = arith.constant 128 : i32
      %dma_start3A_88 = arith.constant 0 : i32
      %dma_start3A_89 = tpu.memref_slice %arg4[%add3A_69, %mul3A_2, %dma_start3A_88] : memref<50x4096x128xf32, #tpu.memory_space<hbm>> -> memref<1x128x128xf32, #tpu.memory_space<hbm>>
      %dma_start3A_90 = tpu.memref_squeeze %dma_start3A_89 : memref<1x128x128xf32, #tpu.memory_space<hbm>> -> memref<128x128xf32, #tpu.memory_space<hbm>>
      %dma_start3A_91 = arith.constant 0 : i32
      %dma_start3A_92 = tpu.memref_slice %arg4[%add3A_69, %mul3A_2, %dma_start3A_91] : memref<50x4096x128xf32, #tpu.memory_space<hbm>> -> memref<1x128x128xf32, #tpu.memory_space<hbm>>
      %dma_start3A_93 = tpu.memref_squeeze %dma_start3A_92 : memref<1x128x128xf32, #tpu.memory_space<hbm>> -> memref<128x128xf32, #tpu.memory_space<hbm>>
      tpu.enqueue_dma source(%arg9 : memref<128x128xf32, #tpu.memory_space<vmem>>) target(%dma_start3A_93 : memref<128x128xf32, #tpu.memory_space<hbm>>) target_semaphore(%arg13 : memref<!tpu.dma_semaphore, #tpu.memory_space<semaphore_mem>>)
      %lt3A_94 = arith.constant 24 : i32
      %lt3A_95 = arith.cmpi slt, %scan3A_35, %lt3A_94 : i32
      %convert_element_type3A_96 = arith.extui %lt3A_95 : i1 to i32
      %cond3A_97 = arith.constant 0 : i32
      %cond3A_98 = arith.cmpi ne, %convert_element_type3A_96, %cond3A_97 : i32
      scf.if %cond3A_98 {
        %add3A_100 = arith.constant 2 : i32
        %add3A_101 = arith.addi %add3A_69, %add3A_100 : i32
        %dma_start3A_102 = arith.constant 0 : i32
        %dma_start3A_103 = tpu.memref_slice %arg5[%add3A_101, %dma_start3A_102] : memref<50x128xi32, #tpu.memory_space<vmem>> -> memref<1x128xi32, #tpu.memory_space<vmem>>
        %dma_start3A_104 = tpu.memref_squeeze %dma_start3A_103 : memref<1x128xi32, #tpu.memory_space<vmem>> -> memref<128xi32, #tpu.memory_space<vmem>>
        %dma_start3A_105 = arith.constant 0 : i32
        %dma_start3A_106 = arith.constant 0 : i32
        %dma_start3A_107 = tpu.memref_slice %arg2[%dma_start3A_105, %dma_start3A_106] : memref<100000x128xf32, #tpu.memory_space<hbm>> -> memref<100000x128xf32, #tpu.memory_space<hbm>>
        tpu.enqueue_indirect_dma source(%dma_start3A_107 : memref<100000x128xf32, #tpu.memory_space<hbm>>) target(%arg7 : memref<128x128xf32, #tpu.memory_space<vmem>>) offsets(%dma_start3A_104 : memref<128xi32, #tpu.memory_space<vmem>>) semaphore(%arg11 : memref<!tpu.dma_semaphore, #tpu.memory_space<semaphore_mem>>)
      } else {
      }
      %scan3A_99 = arith.constant 0 : i32
      scf.yield %scan3A_99 : i32
    }
    %scan3A_21 = arith.constant 25 : i32
    %dma_wait3A = arith.constant 48 : i32
    %dma_wait3A_22 = arith.constant 0 : i32
    %dma_wait3A_23 = tpu.memref_slice %arg4[%dma_wait3A, %mul3A_2, %dma_wait3A_22] : memref<50x4096x128xf32, #tpu.memory_space<hbm>> -> memref<1x128x128xf32, #tpu.memory_space<hbm>>
    %dma_wait3A_24 = tpu.memref_squeeze %dma_wait3A_23 : memref<1x128x128xf32, #tpu.memory_space<hbm>> -> memref<128x128xf32, #tpu.memory_space<hbm>>
    %dma_wait3A_25 = arith.constant 0 : i32
    %dma_wait3A_26 = tpu.memref_slice %arg4[%dma_wait3A, %mul3A_2, %dma_wait3A_25] : memref<50x4096x128xf32, #tpu.memory_space<hbm>> -> memref<1x128x128xf32, #tpu.memory_space<hbm>>
    %dma_wait3A_27 = tpu.memref_squeeze %dma_wait3A_26 : memref<1x128x128xf32, #tpu.memory_space<hbm>> -> memref<128x128xf32, #tpu.memory_space<hbm>>
    tpu.wait_dma2 semaphore(%arg12 : memref<!tpu.dma_semaphore, #tpu.memory_space<semaphore_mem>>) src(%arg8 : memref<128x128xf32, #tpu.memory_space<vmem>>) dst(%dma_wait3A_27 : memref<128x128xf32, #tpu.memory_space<hbm>>)
    %dma_wait3A_28 = arith.constant 49 : i32
    %dma_wait3A_29 = arith.constant 0 : i32
    %dma_wait3A_30 = tpu.memref_slice %arg4[%dma_wait3A_28, %mul3A_2, %dma_wait3A_29] : memref<50x4096x128xf32, #tpu.memory_space<hbm>> -> memref<1x128x128xf32, #tpu.memory_space<hbm>>
    %dma_wait3A_31 = tpu.memref_squeeze %dma_wait3A_30 : memref<1x128x128xf32, #tpu.memory_space<hbm>> -> memref<128x128xf32, #tpu.memory_space<hbm>>
    %dma_wait3A_32 = arith.constant 0 : i32
    %dma_wait3A_33 = tpu.memref_slice %arg4[%dma_wait3A_28, %mul3A_2, %dma_wait3A_32] : memref<50x4096x128xf32, #tpu.memory_space<hbm>> -> memref<1x128x128xf32, #tpu.memory_space<hbm>>
    %dma_wait3A_34 = tpu.memref_squeeze %dma_wait3A_33 : memref<1x128x128xf32, #tpu.memory_space<hbm>> -> memref<128x128xf32, #tpu.memory_space<hbm>>
    tpu.wait_dma2 semaphore(%arg13 : memref<!tpu.dma_semaphore, #tpu.memory_space<semaphore_mem>>) src(%arg9 : memref<128x128xf32, #tpu.memory_space<vmem>>) dst(%dma_wait3A_34 : memref<128x128xf32, #tpu.memory_space<hbm>>)
    return
  }
}

</mosaic_0001>

<sc_bundles>
// kernel: kernel.3.cloned.1.call-start
scs
__scs_entry_jumppad:
0x0: {  	(pc) =	sbr.rel $0x88, $3  }
0x1: {  	(tag) =	ssettag $0x0;
	lr =	simm.s32 $0x1  }
0x2: {  	[smem:$0x3F9F] =	sst lr;
	_ =	strace $0xD0000000  }
0x3: {  	_ = 	snop  }
0x4: {  	_ = 	snop  }
0x5: {  	_ = 	snop  }
0x6: {  	_ = 	snop  }
0x7: {  	_ = 	snop  }
__scs_overlays_trampoline_lowered:
0x8: {  	[smem:$0x3FAE] =	sst s0  }
0x9: {  	[smem:$0x3FAF] =	sst s1  }
0xa: {  	[smem:$0x3FB0] =	sst s2  }
0xb: {  	[smem:$0x3FB1] =	sst s3  }
0xc: {  	[smem:$0x3FB2] =	sst s4  }
0xd: {  	[smem:$0x3FB3] =	sst s5  }
0xe: {  	[smem:$0x3FB4] =	sst s6  }
0xf: {  	[smem:$0x3FB5] =	sst s7  }
0x10: {  	[smem:$0x3FB6] =	sst s8  }
0x11: {  	[smem:$0x3FB7] =	sst s9;
	s0 =	simm.s32 @!p0 $0x0  }
0x12: {  	s1 =	sld [smem:$0x3F9D];
	s0 =	simm.s32 @p0 $0x1  }
0x13: {  	[smem:$0x3FB8] =	sst s0;
	s0 =	simm.s32 @!p1 $0x0  }
0x14: {  	s2 =	sld [smem:$0x3F9C];
	s0 =	simm.s32 @p1 $0x1  }
0x15: {  	[smem:$0x3FB9] =	sst s0;
	s0 =	simm.s32 @!p2 $0x0  }
0x16: {  	s3 =	sld [smem:$0x3FDB];
	s0 =	simm.s32 @p2 $0x1  }
0x17: {  	s4 =	simm.s32 $0x1BF5;
	[smem:$0x3FBB] =	sst s0  }
0x18: {  	s0 =	sld [smem:$0x3F9E];
	_ =	swait.ge [sflag:s4], $0x0  }
0x19: {  	s7 =	sld [smem:$0x3F9F]  }
0x1a: {  	s8 =	sadd.s32 $0xFFFFE003, lr  }
0x1b: {  	s9 =	sadd.s32 $0xFFFFFEF7, lr;
	s5 =	simm.s32 $0xFFFFFFFF;
	p2 =	slt.u32 s8, $0xFFFFF086  }
0x1c: {  	p1 =	slt.u32 s9, $0xF7A;
	s5 =	simm.s32 @!p2 $0x0  }
0x1d: {  	s5 =	simm.s32 @p1 $0x1;
	p0 =	seq.s32 s7, s2  }
0x1e: {  	s7 =	smul.u32 @!p0 $0xF7A, s2;
	p2 =	seq.s32 @!p0 s5, $0x0  }
0x1f: {  	s9 =	smul.u32 $0xF7A, s1;
	s8 =	simm.s32 @!p0 $0x1BF5;
	p2 =	por !p2, p0  }
0x20: {  	[sflag:s8] =	ssyncset.s32 @!p0 $0xFFFFF086;
	s6 =	sadd.s32 @!p0 s3, s7;
	s7 =	simm.s32 @!p0 $0x108  }
0x21: {  	s3 =	sadd.s32 s3, s9;
	s6 =	sadd.s32 @!p0 $0x88, s6;
	s7 =	simm.s32 @p2 $0x1082  }
0x22: {  	[simem:s7], [sflag:s8] =	dma.local @!p0 [hbm:s6], $0xF7A  }
0x23: {  	s9 =	sor.u32 $0xD0000000, s2;
	s6 =	simm.s32 $0x108;
	_ =	swait.ge @!p0 [sflag:s8], $0x0  }
0x24: {  	s3 =	sadd.s32 $0x88, s3;
	s6 =	simm.s32 @!p1 $0x1082;
	[sflag:s4] =	ssyncset.s32 $0xFFFFF086  }
0x25: {  	[simem:s6], [sflag:s4] =	dma.local [hbm:s3], $0xF7A  }
0x26: {  	[smem:$0x3F9F] =	sst s1;
	(tag) =	ssettag s2;
	_ =	strace s9  }
0x27: {  	s1 =	sld [smem:$0x3FAF]  }
0x28: {  	s2 =	sld [smem:$0x3FB0]  }
0x29: {  	s4 =	sld [smem:$0x3FB2]  }
0x2a: {  	p0 =	seq.s32 s5, $0x0;
	s5 =	sld [smem:$0x3FB3]  }
0x2b: {  	s6 =	sld [smem:$0x3FB4]  }
0x2c: {  	s7 =	sld [smem:$0x3FB5]  }
0x2d: {  	s3 =	simm.s32 $0x108;
	s8 =	sld [smem:$0x3FB6]  }
0x2e: {  	s3 =	simm.s32 @!p0 $0x1082;
	s9 =	sld [smem:$0x3FB7]  }
0x2f: {  	lr =	sadd.s32 s0, s3;
	s0 =	sld [smem:$0x3FAE]  }
0x30: {  	s3 =	sld [smem:$0x3FB1]  }
0x31: {  	[smem:$0x3FBA] =	sst s10  }
0x32: {  	s10 =	sld [smem:$0x3FB8];
	_ =	sdelay $0x3  }
0x33: {  	p0 =	seq.s32 s10, $0x1;
	s10 =	sld [smem:$0x3FBA];
	_ =	sdelay $0x3  }
0x34: {  	[smem:$0x3FBA] =	sst s10  }
0x35: {  	s10 =	sld [smem:$0x3FB9];
	_ =	sdelay $0x3  }
0x36: {  	p1 =	seq.s32 s10, $0x1;
	s10 =	sld [smem:$0x3FBA];
	_ =	sdelay $0x3  }
0x37: {  	[smem:$0x3FBA] =	sst s10  }
0x38: {  	s10 =	sld [smem:$0x3FBB]  }
0x39: {  	_ = 	snop;
	(pc) =	sbr.ind lr, $3  }
0x3a: {  	_ = 	snop  }
0x3b: {  	_ = 	snop  }
0x3c: {  	p2 =	seq.s32 s10, $0x1;
	s10 =	sld [smem:$0x3FBA]  }
0x3d: {  	_ =	shalt  }
0x3e: {  	_ =	shalt  }
0x3f: {  	_ =	shalt  }
0x40: {  	_ =	shalt  }
0x41: {  	_ =	shalt  }
0x42: {  	_ =	shalt  }
0x43: {  	_ =	shalt  }
0x44: {  	_ =	shalt  }
0x45: {  	_ =	shalt  }
0x46: {  	_ =	shalt  }
0x47: {  	_ =	shalt  }
0x48: {  	_ =	shalt  }
0x49: {  	_ =	shalt  }
0x4a: {  	_ =	shalt  }
0x4b: {  	_ =	shalt  }
0x4c: {  	_ =	shalt  }
0x4d: {  	_ =	shalt  }
0x4e: {  	_ =	shalt  }
0x4f: {  	_ =	shalt  }
0x50: {  	_ =	shalt  }
0x51: {  	_ =	shalt  }
0x52: {  	_ =	shalt  }
0x53: {  	_ =	shalt  }
0x54: {  	_ =	shalt  }
0x55: {  	_ =	shalt  }
0x56: {  	_ =	shalt  }
0x57: {  	_ =	shalt  }
0x58: {  	_ =	shalt  }
0x59: {  	_ =	shalt  }
0x5a: {  	_ =	shalt  }
0x5b: {  	_ =	shalt  }
0x5c: {  	_ =	shalt  }
0x5d: {  	_ =	shalt  }
0x5e: {  	_ =	shalt  }
0x5f: {  	_ =	shalt  }
0x60: {  	_ =	shalt  }
0x61: {  	_ =	shalt  }
0x62: {  	_ =	shalt  }
0x63: {  	_ =	shalt  }
0x64: {  	_ =	shalt  }
0x65: {  	_ =	shalt  }
0x66: {  	_ =	shalt  }
0x67: {  	_ =	shalt  }
0x68: {  	_ =	shalt  }
0x69: {  	_ =	shalt  }
0x6a: {  	_ =	shalt  }
0x6b: {  	_ =	shalt  }
0x6c: {  	_ =	shalt  }
0x6d: {  	_ =	shalt  }
0x6e: {  	_ =	shalt  }
0x6f: {  	_ =	shalt  }
0x70: {  	_ =	shalt  }
0x71: {  	_ =	shalt  }
0x72: {  	_ =	shalt  }
0x73: {  	_ =	shalt  }
0x74: {  	_ =	shalt  }
0x75: {  	_ =	shalt  }
0x76: {  	_ =	shalt  }
0x77: {  	_ =	shalt  }
0x78: {  	_ =	shalt  }
0x79: {  	_ =	shalt  }
0x7a: {  	_ =	shalt  }
0x7b: {  	_ =	shalt  }
0x7c: {  	_ =	shalt  }
0x7d: {  	_ =	shalt  }
0x7e: {  	_ =	shalt  }
0x7f: {  	_ =	shalt  }
0x80: {  	_ =	shalt  }
0x81: {  	_ =	shalt  }
0x82: {  	_ =	shalt  }
0x83: {  	_ =	shalt  }
0x84: {  	_ =	shalt  }
0x85: {  	_ =	shalt  }
0x86: {  	_ =	shalt  }
0x87: {  	_ =	shalt  }
.Lfunc_end0:
.L_simem_size_0:
called_computation_lowered:
.L_overlay_start_0:
0x88: {  	s2 =	sld [smem:$0x3FD9]  }
0x89: {  	s3 =	sld [smem:$0x3FFE];
	_ =	sdelay $0x1  }
0x8a: {  	s1 =	srdreg.scid  }
0x8b: {  	s0 =	sand.u32 $0x1, s1  }
0x8c: {  	s18 =	sshll.u32 s0, $0xA;
	s2 =	sadd.s32 s3, s2  }
0x8d: {  	s2 =	sadd.s32 s2, s18  }
0x8e: {  	[smem:$0x3FC6] =	sst s2  }
0x8f: {  	_ = 	snop  }
0x90: {  	s2 =	sld [smem:$0x3FC9]  }
0x91: {  	s19 =	sld [smem:$0x3FC8]  }
0x92: {  	s4 =	sld [smem:$0x3FD0];
	(tm) =	ssettm $0x1  }
0x93: {  	s5 =	sld [smem:$0x3FFB];
	_ =	sdelay $0x3  }
0x94: {  	_ =	strace s5  }
0x95: {  	s5 =	sld [smem:$0x3FFC];
	_ =	sdelay $0x3  }
0x96: {  	_ =	strace s5  }
0x97: {  	s5 =	sld [smem:$0x3FFD];
	_ =	sdelay $0x3  }
0x98: {  	_ =	strace s5  }
0x99: {  	_ =	strace $0x8FFFFFFF  }
0x9a: {  	s20 =	sld [smem:$0x3FDB];
	_ =	sdelay $0x1  }
0x9b: {  	s6 =	simm.s32 $_scs_section_size  }
0x9c: {  	s7 =	simm.s32 $_size__tile_overlayer_lowered;
	s8 =	simm.s32 $_tile_overlayer_lowered  }
0x9d: {  	s23 =	simm.s32 $0x1BFF;
	s22 =	sshll.u32 s8, $0x1;
	s5 =	sadd.s32 s6, s20  }
0x9e: {  	s9 =	simm.s32 $0x0;
	s21 =	sshll.u32 s7, $0x1;
	s7 =	sadd.s32 s22, s5  }
0x9f: {  	[timem:s9], [sflag:s23] =	dma.local [hbm:s7], s21  }
0xa0: {  	_ =	swait.ge [sflag:s23], s21  }
0xa1: {  	s6 =	ssub.s32 $0x0, s21;
	[sflag:s23] =	ssyncset.done $0x0  }
0xa2: {  	[sflag:s23] =	ssyncadd.s32 s6;
	_ =	sdelay $0x1  }
0xa3: {  	s24 =	simm.s32 $0x1B8B  }
0xa4: {  	_ =	swait.ge [sflag:s24], $0x1  }
0xa5: {  	[sflag:s24] =	ssyncset.done $0x0  }
0xa6: {  	s25 =	simm.s32 $0x1B8E;
	[sflag:s24] =	ssyncadd.s32 $0xFFFFFFFF  }
0xa7: {  	s26 =	simm.s32 $execute0_lowered;
	[smem:$0x3FD2] =	sst s25  }
0xa8: {  	s6 =	sshll.u32 s26, $0x1;
	_ =	strace $0x80000046;
	[dreg:$0x1] =	wrdreg $0xFFFFFFFF  }
0xa9: {  	s28 =	simm.s32 $_size_execute0_lowered;
	s5 =	sadd.s32 s5, s6;
	[dreg:$0x0] =	wrdreg $0x0  }
0xaa: {  	s6 =	sshll.u32 s28, $0x1;
	[dreg:$0x2] =	wrdreg s5  }
0xab: {  	[dreg:$0x3] =	wrdreg s6  }
0xac: {  	[dreg:$0x4] =	wrdreg $0xC0  }
0xad: {  	_ =	task [dreg:s9], $0x5FFFF  }
0xae: {  	[dreg:$0x1] =	wrdreg $0xFFFFFFFF  }
0xaf: {  	[dreg:$0x0] =	wrdreg $0x60  }
0xb0: {  	[dreg:$0x2] =	wrdreg s19  }
0xb1: {  	[dreg:$0x3] =	wrdreg s2  }
0xb2: {  	[dreg:$0x4] =	wrdreg s4  }
0xb3: {  	[dreg:$0x5] =	wrdreg $0x9  }
0xb4: {  	_ =	task.clear_ibuf [dreg:s9], $0x6FFFF;
	_ =	strace $0x90000046  }
0xb5: {  	s29 =	simm.s32 $0x9;
	_ =	strace $0x80000048  }
0xb6: {  	_ =	swait.ge [sflag:s29], $0x1  }
0xb7: {  	[sflag:s29] =	ssyncadd.s32 $0xFFFFFFFF  }
0xb8: {  	_ =	strace $0x90000048  }
0xb9: {  	_ =	sfence  }
0xba: {  	s30 =	sld [smem:$0x0];
	_ =	sdelay $0x2  }
0xbb: {  	s31 =	sshll.u32 s1, $0xD;
	s1 =	sshrl.u32 s1, $0x2  }
0xbc: {  	s3 =	sand.u32 $0x4000, s31;
	s1 =	sadd.s32 s1, s30  }
0xbd: {  	s0 =	sor.u32 s3, s0;
	s1 =	sshll.u32 s1, $0x11  }
0xbe: {  	s0 =	sor.u32 s1, s0  }
0xbf: {  	s0 =	sadd.s32 $0x8F2B, s0  }
0xc0: {  	[sflag:s0] =	ssyncadd.remote.s32 $0x1  }
0xc1: {  	_ =	sfence.sel $0xFFFF  }
0xc2: {  	[dreg:$0x0] =	wrdreg $0xFFFFFFFF;
	(pc) =	sbr.abs _section_cstart, $3  }
0xc3: {  	[dreg:$0x1] =	wrdreg $0xFFFFFFFF  }
0xc4: {  	_ =	task.clear_ibuf [dreg:s9], $0x2FFFF;
	_ =	strace $0x9FFFFFFF  }
0xc5: {  	(tm) =	ssettm $0x7FFFFFFF  }
tec
execute0_lowered:
.L_overlay_start_1:
0x0: {  	(tag) =	ssettag $0x1  }
0x1: {  	s1 =	rddreg [dreg:$0x0]  }
0x2: {  	s5 =	rddreg [dreg:$0x1]  }
0x3: {  	s3 =	rddreg [dreg:$0x2]  }
0x4: {  	s0 =	rddreg [dreg:$0x3];
	s6 =	srdreg.scid;
	s4 =	simm.s32 $0x0  }
0x5: {  	s2 =	stileid.u32;
	s10 =	simm.s32 $0x400;
	s11 =	simm.s32 $0x8000  }
0x6: {  	s12 =	simm.s32 $0x1800;
	s13 =	simm.s32 $0x5;
	s14 =	simm.s32 $0x80  }
0x7: {  	s15 =	simm.s32 $0x1C00;
	s16 =	simm.s32 $0x5C00;
	s17 =	simm.s32 $0x1  }
0x8: {  	s18 =	simm.s32 $0x9C00;
	s19 =	simm.s32 $0x2;
	s20 =	simm.s32 $0x4  }
0x9: {  	s21 =	simm.s32 $0xDC00;
	s22 =	simm.s32 $0x3;
	s23 =	simm.s32 $0x0  }
.Ltmp0:
0xa: {  	s6 =	sand.u32 $0x1, s6;
	s8 =	sshll.u32 s2, $0x8;
	(pc) =	sbr.rel .LBB2_1-.Ltmp0, $4  }
0xb: {  	[smem:$0x7FF] =	sst s4;
	s7 =	ssub.s32 $0x2, s6;
	s6 =	sshll.u32 s6, $0x7  }
0xc: {  	_ =	strace $0x80000047;
	s9 =	sshrl.u32 s7, $0x1;
	s8 =	sor.u32 s6, s8  }
0xd: {  	s9 =	ssub.s32 s7, s9;
	s5 =	sadd.s32 s5, s8;
	s7 =	sshll.u32 s8, $0x4  }
0xe: {  	s8 =	sadd.s32 $0x10000, s3;
	s6 =	sadd.s32 $0x6000, s5;
	s9 =	smax.u32 s9, $0x1  }
.LBB2_12:
0xf: {  	s23 =	sadd.s32 $0x1, s23  }
0x10: {  	_ =	swait.ge [sflag:s22], $0x4000;
	p0 =	sne.s32 s23, s9  }
.Ltmp1:
0x11: {  	[sflag:s22] =	ssyncset.done $0x0;
	(pc) =	sbr.rel @!p0 .LBB2_13-.Ltmp1, $4  }
0x12: {  	[sflag:s22] =	ssyncadd.s32 $0xFFFFC000  }
0x13: {  	_ =	swait.ge [sflag:s20], $0x4000  }
0x14: {  	[sflag:s20] =	ssyncset.done $0x0  }
0x15: {  	[sflag:s20] =	ssyncadd.s32 $0xFFFFC000  }
.LBB2_1:
0x16: {  	[tilespmem:s4], [sflag:$0x5] =	stream.strided.gather [hbm4b:s5+s10], $0x1800, s11, s10, $0x38;
	[tilespmem:$0x11C00] =	vst v63  }
0x17: {  	_ = 	snop  }
0x18: {  	[tilespmem:s12], [sflag:$0x5] =	stream.linear.gather [hbm4b:s6+s4], $0x100, $0x38;
	[tilespmem:$0x11C00] =	vst v63  }
0x19: {  	_ =	swait.ge [sflag:s13], $0x1900  }
0x1a: {  	[sflag:s13] =	ssyncset.done $0x0  }
0x1b: {  	[sflag:s13] =	ssyncadd.s32 $0xFFFFE700  }
0x1c: {  	[tilespmem:s15], [sflag:$0x1] =	stream.indirect.gather [hbm4b:s1+s14], $0x80, s4, s14, $0xb8;
	[tilespmem:$0x11C00] =	vst v63  }
0x1d: {  	s24 =	simm.s32 $0x0  }
0x1e: {  	[tilespmem:s16], [sflag:$0x2] =	stream.indirect.gather [hbm4b:s1+s14], $0x80, s14, s14, $0xb8;
	[tilespmem:$0x11C00] =	vst v63  }
.LBB2_2:
0x1f: {  	_ =	swait.ge [sflag:s17], $0x4000  }
0x20: {  	p0 =	seq.s32 s24, $0x0;
	[sflag:s17] =	ssyncset.done $0x0  }
0x21: {  	s25 =	simm.s32 @!p0 $0x3;
	[sflag:s17] =	ssyncadd.s32 $0xFFFFC000  }
0x22: {  	_ =	swait.ge @!p0 [sflag:s25], $0x4000  }
0x23: {  	[sflag:s25] =	ssyncset.done @!p0 $0x0  }
0x24: {  	[sflag:s25] =	ssyncadd.s32 @!p0 $0xFFFFC000;
	s25 =	simm.s32 $0x0  }
0x25: {  	v1 =	vld [tilespmem:s25+$0x1C70]  }
0x26: {  	v5 =	vld [tilespmem:s25+$0x1C00]  }
0x27: {  	v6 =	vld [tilespmem:s25+$0x1C10]  }
0x28: {  	v4 =	vld [tilespmem:s25+$0x1C20]  }
0x29: {  	v3 =	vld [tilespmem:s25+$0x1C30]  }
0x2a: {  	v0 =	vld [tilespmem:s25+$0x1C40];
	v7 =	vmul.f32 $1.131370830e+01, v1  }
0x2b: {  	v1 =	vld [tilespmem:s25+$0x1C50];
	v5 =	vmul.f32 $1.131370830e+01, v5  }
0x2c: {  	s26 =	simm.s32 $0x80;
	s28 =	simm.s32 $0x400;
	v2 =	vld [tilespmem:s25+$0x1C60];
	v6 =	vmul.f32 $1.131370830e+01, v6;
	[tilespmem:s25+$0x9C70] =	vst v7  }
.LBB2_3:
0x2d: {  	p1 =	sne.s32 s28, $0xFE00;
	v7 =	vld [tilespmem:s26+$0x1C70];
	[tilespmem:s25+$0x9C00] =	vst v5;
	v4 =	vmul.f32 $1.131370830e+01, v4  }
0x2e: {  	v5 =	vld [tilespmem:s26+$0x1C00];
	[tilespmem:s25+$0x9C10] =	vst v6;
	v3 =	vmul.f32 $1.131370830e+01, v3  }
0x2f: {  	v6 =	vld [tilespmem:s26+$0x1C10];
	[tilespmem:s25+$0x9C20] =	vst v4;
	v0 =	vmul.f32 $1.131370830e+01, v0  }
.Ltmp2:
0x30: {  	v4 =	vld [tilespmem:s26+$0x1C20];
	[tilespmem:s25+$0x9C30] =	vst v3;
	v1 =	vmul.f32 $1.131370830e+01, v1;
	(pc) =	sbr.rel @p1 .LBB2_3-.Ltmp2, $4  }
0x31: {  	v3 =	vld [tilespmem:s26+$0x1C30];
	[tilespmem:s25+$0x9C40] =	vst v0;
	v2 =	vmul.f32 $1.131370830e+01, v2  }
0x32: {  	v0 =	vld [tilespmem:s26+$0x1C40];
	v7 =	vmul.f32 $1.131370830e+01, v7;
	[tilespmem:s25+$0x9C50] =	vst v1  }
0x33: {  	v5 =	vmul.f32 $1.131370830e+01, v5;
	v1 =	vld [tilespmem:s26+$0x1C50];
	[tilespmem:s25+$0x9C60] =	vst v2;
	s25 =	smov.u32 s26  }
0x34: {  	s26 =	sshra.s32 s28, $0x2;
	s28 =	sadd.s32 $0x200, s28;
	v6 =	vmul.f32 $1.131370830e+01, v6;
	v2 =	vld [tilespmem:s25+$0x1C60];
	[tilespmem:s25+$0x9C70] =	vst v7  }
0x35: {  	v7 =	vld [tilespmem:s26+$0x1C70];
	[tilespmem:s25+$0x9C00] =	vst v5;
	v4 =	vmul.f32 $1.131370830e+01, v4  }
0x36: {  	v5 =	vld [tilespmem:s26+$0x1C00];
	[tilespmem:s25+$0x9C10] =	vst v6;
	v3 =	vmul.f32 $1.131370830e+01, v3  }
0x37: {  	v6 =	vld [tilespmem:s26+$0x1C10];
	[tilespmem:s25+$0x9C20] =	vst v4;
	v0 =	vmul.f32 $1.131370830e+01, v0  }
0x38: {  	v4 =	vld [tilespmem:s26+$0x1C20];
	[tilespmem:s25+$0x9C30] =	vst v3;
	v1 =	vmul.f32 $1.131370830e+01, v1  }
0x39: {  	v3 =	vld [tilespmem:s26+$0x1C30];
	[tilespmem:s25+$0x9C40] =	vst v0;
	v2 =	vmul.f32 $1.131370830e+01, v2  }
0x3a: {  	v0 =	vld [tilespmem:s26+$0x1C40];
	[tilespmem:s25+$0x9C50] =	vst v1;
	v7 =	vmul.f32 $1.131370830e+01, v7  }
0x3b: {  	v1 =	vld [tilespmem:s26+$0x1C50];
	[tilespmem:s25+$0x9C60] =	vst v2;
	v60 =	vmul.f32 $1.131370830e+01, v5  }
0x3c: {  	v61 =	vld [tilespmem:s26+$0x1C60];
	v6 =	vmul.f32 $1.131370830e+01, v6;
	[tilespmem:s26+$0x9C70] =	vst v7  }
0x3d: {  	[tilespmem:s26+$0x9C00] =	vst v60;
	v62 =	vmul.f32 $1.131370830e+01, v4  }
0x3e: {  	[tilespmem:s26+$0x9C10] =	vst v6;
	v3 =	vmul.f32 $1.131370830e+01, v3  }
0x3f: {  	p1 =	sne.s32 s24, $0x18;
	[tilespmem:s26+$0x9C20] =	vst v62;
	v0 =	vmul.f32 $1.131370830e+01, v0  }
.Ltmp3:
0x40: {  	[tilespmem:s26+$0x9C30] =	vst v3;
	v1 =	vmul.f32 $1.131370830e+01, v1;
	(pc) =	sbr.rel @p1 .LBB2_6-.Ltmp3, $4  }
0x41: {  	s30 =	sshll.u32 s24, $0x11;
	[tilespmem:s26+$0x9C40] =	vst v0;
	v63 =	vmul.f32 $1.131370830e+01, v61  }
0x42: {  	s25 =	sor.u32 s7, s30;
	[tilespmem:s26+$0x9C50] =	vst v1  }
0x43: {  	s31 =	sadd.s32 s3, s25;
	[tilespmem:s26+$0x9C60] =	vst v63  }
0x44: {  	[hbm4b:s31+s4] =	stream.linear.scatter [tilespmem:s18], [sflag:$0x3], $0x4000, $0x38;
	[tilespmem:$0x11C00] =	vst v63  }
.Ltmp4:
0x45: {  	(pc) =	sbr.rel .LBB2_7-.Ltmp4, $4  }
0x46: {  	_ = 	snop  }
0x47: {  	_ =	swait.ge [sflag:s19], $0x4000  }
0x48: {  	[sflag:s19] =	ssyncset.done $0x0  }
0x49: {  	[sflag:s19] =	ssyncadd.s32 $0xFFFFC000  }
.LBB2_6:
0x4a: {  	s26 =	sshll.u32 s24, $0x8  }
0x4b: {  	s26 =	sand.u32 $0x3FFFFF00, s26  }
.Ltmp5:
0x4c: {  	s26 =	sadd.s32 $0x100, s26;
	(pc) =	sbr.rel @p0 .LBB2_8-.Ltmp5, $4  }
0x4d: {  	[tilespmem:s15], [sflag:$0x1] =	stream.indirect.gather [hbm4b:s1+s14], $0x80, s26, s14, $0xb8;
	[tilespmem:$0x11C00] =	vst v63  }
0x4e: {  	_ =	swait.ge [sflag:s19], $0x4000  }
0x4f: {  	[sflag:s19] =	ssyncset.done $0x0  }
0x50: {  	[sflag:s19] =	ssyncadd.s32 $0xFFFFC000  }
.LBB2_7:
0x51: {  	_ =	swait.ge [sflag:s20], $0x4000  }
0x52: {  	[sflag:s20] =	ssyncset.done $0x0  }
0x53: {  	[sflag:s20] =	ssyncadd.s32 $0xFFFFC000  }
.LBB2_8:
0x54: {  	s28 =	simm.s32 $0x0  }
0x55: {  	v1 =	vld [tilespmem:s28+$0x5C70]  }
0x56: {  	v5 =	vld [tilespmem:s28+$0x5C00]  }
0x57: {  	v6 =	vld [tilespmem:s28+$0x5C10]  }
0x58: {  	v4 =	vld [tilespmem:s28+$0x5C20]  }
0x59: {  	v3 =	vld [tilespmem:s28+$0x5C30]  }
0x5a: {  	v0 =	vld [tilespmem:s28+$0x5C40];
	v7 =	vmul.f32 $1.131370830e+01, v1  }
0x5b: {  	v1 =	vld [tilespmem:s28+$0x5C50];
	v5 =	vmul.f32 $1.131370830e+01, v5  }
0x5c: {  	s26 =	simm.s32 $0x80;
	s29 =	simm.s32 $0x400;
	v2 =	vld [tilespmem:s28+$0x5C60];
	v6 =	vmul.f32 $1.131370830e+01, v6;
	[tilespmem:s28+$0xDC70] =	vst v7  }
.LBB2_9:
0x5d: {  	p0 =	sne.s32 s29, $0xFE00;
	v7 =	vld [tilespmem:s26+$0x5C70];
	[tilespmem:s28+$0xDC00] =	vst v5;
	v4 =	vmul.f32 $1.131370830e+01, v4  }
0x5e: {  	v5 =	vld [tilespmem:s26+$0x5C00];
	[tilespmem:s28+$0xDC10] =	vst v6;
	v3 =	vmul.f32 $1.131370830e+01, v3  }
0x5f: {  	v6 =	vld [tilespmem:s26+$0x5C10];
	[tilespmem:s28+$0xDC20] =	vst v4;
	v0 =	vmul.f32 $1.131370830e+01, v0  }
.Ltmp6:
0x60: {  	v4 =	vld [tilespmem:s26+$0x5C20];
	[tilespmem:s28+$0xDC30] =	vst v3;
	v1 =	vmul.f32 $1.131370830e+01, v1;
	(pc) =	sbr.rel @p0 .LBB2_9-.Ltmp6, $4  }
0x61: {  	v3 =	vld [tilespmem:s26+$0x5C30];
	[tilespmem:s28+$0xDC40] =	vst v0;
	v2 =	vmul.f32 $1.131370830e+01, v2  }
0x62: {  	v0 =	vld [tilespmem:s26+$0x5C40];
	v7 =	vmul.f32 $1.131370830e+01, v7;
	[tilespmem:s28+$0xDC50] =	vst v1  }
0x63: {  	v5 =	vmul.f32 $1.131370830e+01, v5;
	v1 =	vld [tilespmem:s26+$0x5C50];
	[tilespmem:s28+$0xDC60] =	vst v2;
	s28 =	smov.u32 s26  }
0x64: {  	s26 =	sshra.s32 s29, $0x2;
	s29 =	sadd.s32 $0x200, s29;
	v6 =	vmul.f32 $1.131370830e+01, v6;
	v2 =	vld [tilespmem:s28+$0x5C60];
	[tilespmem:s28+$0xDC70] =	vst v7  }
0x65: {  	v7 =	vld [tilespmem:s26+$0x5C70];
	[tilespmem:s28+$0xDC00] =	vst v5;
	v4 =	vmul.f32 $1.131370830e+01, v4  }
0x66: {  	v5 =	vld [tilespmem:s26+$0x5C00];
	[tilespmem:s28+$0xDC10] =	vst v6;
	v3 =	vmul.f32 $1.131370830e+01, v3  }
0x67: {  	v6 =	vld [tilespmem:s26+$0x5C10];
	[tilespmem:s28+$0xDC20] =	vst v4;
	v0 =	vmul.f32 $1.131370830e+01, v0  }
0x68: {  	v4 =	vld [tilespmem:s26+$0x5C20];
	[tilespmem:s28+$0xDC30] =	vst v3;
	v1 =	vmul.f32 $1.131370830e+01, v1  }
0x69: {  	v3 =	vld [tilespmem:s26+$0x5C30];
	[tilespmem:s28+$0xDC40] =	vst v0;
	v2 =	vmul.f32 $1.131370830e+01, v2  }
0x6a: {  	v0 =	vld [tilespmem:s26+$0x5C40];
	[tilespmem:s28+$0xDC50] =	vst v1;
	v7 =	vmul.f32 $1.131370830e+01, v7  }
0x6b: {  	v1 =	vld [tilespmem:s26+$0x5C50];
	[tilespmem:s28+$0xDC60] =	vst v2;
	v60 =	vmul.f32 $1.131370830e+01, v5  }
0x6c: {  	v61 =	vld [tilespmem:s26+$0x5C60];
	v6 =	vmul.f32 $1.131370830e+01, v6;
	[tilespmem:s26+$0xDC70] =	vst v7  }
0x6d: {  	[tilespmem:s26+$0xDC00] =	vst v60;
	v62 =	vmul.f32 $1.131370830e+01, v4  }
0x6e: {  	[tilespmem:s26+$0xDC10] =	vst v6;
	v3 =	vmul.f32 $1.131370830e+01, v3  }
0x6f: {  	p0 =	seq.s32 s24, $0x18;
	[tilespmem:s26+$0xDC20] =	vst v62;
	v0 =	vmul.f32 $1.131370830e+01, v0  }
.Ltmp7:
0x70: {  	[tilespmem:s26+$0xDC30] =	vst v3;
	v1 =	vmul.f32 $1.131370830e+01, v1;
	(pc) =	sbr.rel @p0 .LBB2_12-.Ltmp7, $4  }
0x71: {  	[tilespmem:s26+$0xDC40] =	vst v0;
	v63 =	vmul.f32 $1.131370830e+01, v61  }
0x72: {  	[tilespmem:s26+$0xDC50] =	vst v1  }
0x73: {  	s25 =	sadd.s32 s25, s8;
	[tilespmem:s26+$0xDC60] =	vst v63  }
0x74: {  	[hbm4b:s25+s4] =	stream.linear.scatter [tilespmem:s21], [sflag:$0x4], $0x4000, $0x38;
	[tilespmem:$0x11C00] =	vst v63  }
.Ltmp8:
0x75: {  	(pc) =	sbr.rel .LBB2_2-.Ltmp8, $4  }
0x76: {  	s25 =	sshll.u32 s24, $0x8  }
0x77: {  	s25 =	sand.u32 $0x3FFFFF00, s25  }
0x78: {  	s24 =	sadd.s32 $0x1, s24;
	s25 =	sadd.s32 $0x180, s25  }
0x79: {  	[tilespmem:s16], [sflag:$0x2] =	stream.indirect.gather [hbm4b:s1+s14], $0x80, s25, s14, $0xb8;
	[tilespmem:$0x11C00] =	vst v63  }
.LBB2_13:
0x7a: {  	_ =	sfence.sel $0x180000  }
0x7b: {  	[bflag:$0x0] =	sbarrier.arrive $0xFFFF  }
0x7c: {  	p0 =	sne.s32 s2, $0x0;
	_ =	strace $0x90000047  }
0x7d: {  	s0 =	sadd.s32 @!p0 $0x100000, s0;
	[bflag:$0x2] =	sbarrier.arrive $0xFFFF  }
0x7e: {  	[sflag:s0] =	ssyncadd.tile.s32 @!p0 $0x1;
	_ =	shalt  }
.Lfunc_end2:
_tile_overlayer_lowered:
.L_overlay_start_2:
0x7f: {  	(tag) =	ssettag $0x2  }
0x80: {  	s0 =	rddreg [dreg:$0x0];
	s2 =	stileid.u32  }
0x81: {  	s1 =	rddreg [dreg:$0x1];
	p0 =	sne.s32 s2, $0x0  }
0x82: {  	s3 =	rddreg [dreg:$0x2];
	[bflag:$0x3] =	sbarrier.arrive $0xFFFF;
	s2 =	simm.s32 @!p0 $0x1C05  }
0x83: {  	[timem:s3], [sflag:s2] =	dma.local @!p0 [hbm:s0], s1  }
0x84: {  	s0 =	simm.s32 @!p0 $0x5  }
0x85: {  	_ =	swait.ge @!p0 [sflag:s0], s1  }
0x86: {  	s1 =	ssub.s32 @!p0 $0x0, s1;
	[sflag:s0] =	ssyncset.done @!p0 $0x0  }
0x87: {  	[sflag:s0] =	ssyncadd.s32 @!p0 s1  }
0x88: {  	[bflag:$0x3] =	sbarrier.arrive $0xFFFF  }
0x89: {  	_ =	shalt  }

</sc_bundles>
